<compile_context>
chip_gen: v7x
topology: tpu7x:2x2x1
jax: 0.10.2.dev20260603
libtpu: 0.0.44.dev20260713+nightly
codegen_flags: <defaults>
</compile_context>

<pallas_src>
import functools

import jax
import jax.numpy as jnp
from jax import lax
from jax.experimental import pallas as pl
from jax.experimental.pallas import tpu as pltpu
from jax.experimental.pallas import tpu_sc as plsc

SAT_EMA_K = 0.999
NROWS, NCLS = 16384, 1000
CPAD = 1024
BLK = 1024
BLKH = BLK // 2
GRID = NROWS // BLK
NWORKERS = 16
CHUNK = NROWS // NWORKERS
LANES = 16


def _half_stats(w, s, colsum_acc):
    blk = w.shape[1]
    ones_r = jnp.ones((1, NCLS), jnp.float32)
    m = jnp.max(w, axis=0, keepdims=True)
    iota = lax.broadcasted_iota(jnp.int32, (NCLS, blk), 0)
    idx = jnp.min(jnp.where(w == m, iota, NCLS), axis=0)
    ew = jnp.exp(w - m)
    sumexp = lax.dot_general(
        ones_r, ew, (((1,), (0,)), ((), ())))[0]
    inv = 1.0 / sumexp
    mp = inv
    colsum_acc[...] += lax.dot_general(
        ew, inv.reshape(blk, 1), (((1,), (0,)), ((), ())))

    ms = jnp.max(s, axis=0, keepdims=True)
    es = jnp.exp(s - ms)
    ses = lax.dot_general(ones_r, es, (((1,), (0,)), ((), ())))[0]
    lses = ms[0] + jnp.log(ses)
    sval = lax.dot_general(
        ones_r, jnp.where(iota == idx[None, :], s, 0.0),
        (((1,), (0,)), ((), ())))[0]
    return mp, idx, lses - sval


def _phase1_body(tau_ref, pt_ref, wa_ref, sa_ref, wb_ref, sb_ref,
                 mp_ref, idx_ref, nll_ref, thr_ref,
                 colsum_acc, mpsum_acc):
    i = pl.program_id(0)

    @pl.when(i == 0)
    def _init():
        colsum_acc[...] = jnp.zeros_like(colsum_acc)
        mpsum_acc[0] = 0.0

    mp_a, idx_a, nll_a = _half_stats(wa_ref[...], sa_ref[...], colsum_acc)
    mp_b, idx_b, nll_b = _half_stats(wb_ref[...], sb_ref[...], colsum_acc)
    mpsum_acc[0] += jnp.sum(mp_a) + jnp.sum(mp_b)

    mp_ref[pl.ds(0, BLKH)] = mp_a
    mp_ref[pl.ds(BLKH, BLKH)] = mp_b
    idx_ref[pl.ds(0, BLKH)] = idx_a
    idx_ref[pl.ds(BLKH, BLKH)] = idx_b
    nll_ref[pl.ds(0, BLKH)] = nll_a
    nll_ref[pl.ds(BLKH, BLKH)] = nll_b

    @pl.when(i == GRID - 1)
    def _finish():
        colsum_row = jnp.reshape(colsum_acc[...], (1, NCLS))[0]
        p_new = pt_ref[...] * SAT_EMA_K + (1.0 - SAT_EMA_K) * (colsum_row / NROWS)
        tau_new = tau_ref[0] * SAT_EMA_K + (1.0 - SAT_EMA_K) * (mpsum_acc[0] / NROWS)
        thr_ref[pl.ds(0, NCLS)] = p_new * (tau_new / jnp.max(p_new))
        thr_ref[pl.ds(NCLS, CPAD - NCLS)] = jnp.zeros((CPAD - NCLS,), jnp.float32)


def _phase1(wt, st, tau, pt_pad):
    return pl.pallas_call(
        _phase1_body,
        grid=(GRID,),
        in_specs=[
            pl.BlockSpec(memory_space=pltpu.SMEM),
            pl.BlockSpec((NCLS,), lambda i: (0,)),
            pl.BlockSpec((NCLS, BLKH), lambda i: (0, 2 * i)),
            pl.BlockSpec((NCLS, BLKH), lambda i: (0, 2 * i)),
            pl.BlockSpec((NCLS, BLKH), lambda i: (0, 2 * i + 1)),
            pl.BlockSpec((NCLS, BLKH), lambda i: (0, 2 * i + 1)),
        ],
        out_specs=[
            pl.BlockSpec((BLK,), lambda i: (i,)),
            pl.BlockSpec((BLK,), lambda i: (i,)),
            pl.BlockSpec((BLK,), lambda i: (i,)),
            pl.BlockSpec((CPAD,), lambda i: (0,)),
        ],
        out_shape=[
            jax.ShapeDtypeStruct((NROWS,), jnp.float32),
            jax.ShapeDtypeStruct((NROWS,), jnp.int32),
            jax.ShapeDtypeStruct((NROWS,), jnp.float32),
            jax.ShapeDtypeStruct((CPAD,), jnp.float32),
        ],
        scratch_shapes=[
            pltpu.VMEM((NCLS, 1), jnp.float32),
            pltpu.SMEM((1,), jnp.float32),
        ],
    )(tau, pt_pad, wt, st, wt, st)


def _phase2_sc_body(idx_hbm, mp_hbm, nll_hbm, tbl_hbm,
                    mask_hbm, part_hbm,
                    idx_v, mp_v, nll_v, tbl_v, mask_v, acc_v, sem):
    wid = lax.axis_index("s")
    base = wid * CHUNK
    c1 = pltpu.async_copy(idx_hbm.at[pl.ds(base, CHUNK)], idx_v, sem)
    c2 = pltpu.async_copy(mp_hbm.at[pl.ds(base, CHUNK)], mp_v, sem)
    c3 = pltpu.async_copy(nll_hbm.at[pl.ds(base, CHUNK)], nll_v, sem)
    c4 = pltpu.async_copy(tbl_hbm, tbl_v, sem)
    c1.wait(); c2.wait(); c3.wait(); c4.wait()

    UNROLL = 4

    def body(j, acc):
        for u in range(UNROLL):
            o = j * (LANES * UNROLL) + u * LANES
            iv = idx_v[pl.ds(o, LANES)]
            thr = plsc.load_gather(tbl_v, [iv])
            mv = jnp.where(mp_v[pl.ds(o, LANES)] >= thr, 1.0, 0.0)
            mask_v[pl.ds(o, LANES)] = mv
            acc = acc + nll_v[pl.ds(o, LANES)] * mv
        return acc

    acc = lax.fori_loop(0, CHUNK // (LANES * UNROLL), body,
                        jnp.zeros((LANES,), jnp.float32))
    acc_v[...] = acc * (1.0 / NROWS)
    pltpu.sync_copy(mask_v, mask_hbm.at[pl.ds(base, CHUNK)])
    pltpu.sync_copy(acc_v, part_hbm.at[wid])


@functools.lru_cache(maxsize=1)
def _phase2():
    return pl.kernel(
        _phase2_sc_body,
        out_type=[
            jax.ShapeDtypeStruct((NROWS,), jnp.float32),
            jax.ShapeDtypeStruct((NWORKERS, LANES), jnp.float32),
        ],
        mesh=plsc.VectorSubcoreMesh(core_axis_name="c", subcore_axis_name="s",
                                    num_cores=1),
        compiler_params=pltpu.CompilerParams(needs_layout_passes=False),
        scratch_types=[
            pltpu.VMEM((CHUNK,), jnp.int32),
            pltpu.VMEM((CHUNK,), jnp.float32),
            pltpu.VMEM((CHUNK,), jnp.float32),
            pltpu.VMEM((CPAD,), jnp.float32),
            pltpu.VMEM((CHUNK,), jnp.float32),
            pltpu.VMEM((LANES,), jnp.float32),
            pltpu.SemaphoreType.DMA,
        ],
    )


def kernel(logits_ulb_w, logits_ulb_s, tau_t, p_t, label_hist):
    del label_hist
    mp1, idx1, nll1, tbl = _phase1(logits_ulb_w.T, logits_ulb_s.T,
                                   tau_t.reshape(1), p_t)
    mask, parts = _phase2()(idx1, mp1, nll1, tbl)
    loss = jnp.sum(parts)
    return loss, mask

# --- scband reference (transcript-rebuilt; emitter-appended) ---
"""Pipeline reference for scband-self-adaptive-threshold-loss-91328184582317 (READ-ONLY COPY).

The authoritative reference and input builder live on the scoring server;
editing this copy changes nothing except your own understanding.
"""

import jax, jax.numpy as jnp
import numpy as np

SAT_EMA = 0.999
N, C = 16384, 1000

def setup_inputs(seed: int = 0) -> dict:
    key = jax.random.key(seed)
    k1, k2, k3, k4, k5 = jax.random.split(key, 5)
    return {
        "logits_ulb_w": jax.random.normal(k1, (N, C), dtype=jnp.float32),
        "logits_ulb_s": jax.random.normal(k2, (N, C), dtype=jnp.float32),
        "tau_t": jax.random.uniform(k3, (), dtype=jnp.float32),
        "p_t": jax.random.uniform(k4, (C,), dtype=jnp.float32),
        "label_hist": jax.random.uniform(k5, (C,), dtype=jnp.float32),
    }

def reference(logits_ulb_w, logits_ulb_s, tau_t, p_t, label_hist):
    # softmax on weak-aug logits, detached (stop_gradient == .detach())
    probs_ulb_w = jax.lax.stop_gradient(jax.nn.softmax(logits_ulb_w, axis=-1))
    max_probs_w = jnp.max(probs_ulb_w, axis=-1)
    max_idx_w = jnp.argmax(probs_ulb_w, axis=-1)
    # EMA updates of self-adaptive threshold statistics
    tau_t = tau_t * SAT_EMA + (1.0 - SAT_EMA) * jnp.mean(max_probs_w)
    p_t = p_t * SAT_EMA + (1.0 - SAT_EMA) * jnp.mean(probs_ulb_w, axis=0)
    # histogram of pseudo-labels (bincount with minlength == num classes)
    histogram = jnp.bincount(max_idx_w, length=p_t.shape[0]).astype(p_t.dtype)
    label_hist = label_hist * SAT_EMA + (1.0 - SAT_EMA) * (histogram / jnp.sum(histogram))
    # class-wise modulated threshold and confidence mask
    tau_t_c = p_t / jnp.max(p_t, axis=-1)
    mask = (max_probs_w >= tau_t * tau_t_c[max_idx_w]).astype(max_probs_w.dtype)
    # ConsistencyLoss: masked NLL of log_softmax(strong logits) at pseudo-labels
    log_preds = jax.nn.log_softmax(logits_ulb_s, axis=-1)
    nll = -jnp.take_along_axis(log_preds, max_idx_w[:, None], axis=-1)[:, 0]
    loss = jnp.mean(nll * mask)
    return (loss, mask)

if __name__ == "__main__":
    import jax
    _d = setup_inputs()
    print(jax.jit(kernel)(*tuple(_d.values())))

</pallas_src>

<mosaic_0001>
#map = affine_map<(d0, d1) -> (0)>
#map1 = affine_map<(d0, d1) -> (0, 0)>
module attributes {stable_mosaic.version = 14 : i64} {
  func.func @_phase2_sc_body(%arg0: i32, %arg1: i32, %arg2: memref<16384xi32, #tpu.memory_space<hbm>>, %arg3: memref<16384xf32, #tpu.memory_space<hbm>>, %arg4: memref<16384xf32, #tpu.memory_space<hbm>>, %arg5: memref<1024xf32, #tpu.memory_space<hbm>>, %arg6: memref<16384xf32, #tpu.memory_space<hbm>>, %arg7: memref<16x16xf32, #tpu.memory_space<hbm>>, %arg8: memref<1024xi32, #tpu.memory_space<vmem>>, %arg9: memref<1024xf32, #tpu.memory_space<vmem>>, %arg10: memref<1024xf32, #tpu.memory_space<vmem>>, %arg11: memref<1024xf32, #tpu.memory_space<vmem>>, %arg12: memref<1024xf32, #tpu.memory_space<vmem>>, %arg13: memref<16xf32, #tpu.memory_space<vmem>>, %arg14: memref<!tpu.dma_semaphore, #tpu.memory_space<semaphore_mem>>) attributes {dimension_semantics = [#tpu.dimension_semantics<core_parallel>, #tpu.dimension_semantics<subcore_parallel>], iteration_bounds = array<i64: 1, 16>, scalar_prefetch = 0 : i64, scratch_operands = 7 : i64, tpu.core_type = #tpu.core_type<sc_vector_subcore>, window_params = [{transform_indices = #map}, {transform_indices = #map}, {transform_indices = #map}, {transform_indices = #map}, {transform_indices = #map}, {transform_indices = #map1}]} {
    %mul3A = arith.constant 1024 : i32
    %mul3A_0 = arith.muli %arg1, %mul3A : i32
    %dma_start3A = tpu.memref_slice %arg2[%mul3A_0] : memref<16384xi32, #tpu.memory_space<hbm>> -> memref<1024xi32, #tpu.memory_space<hbm>>
    %dma_start3A_1 = tpu.memref_slice %arg2[%mul3A_0] : memref<16384xi32, #tpu.memory_space<hbm>> -> memref<1024xi32, #tpu.memory_space<hbm>>
    tpu.enqueue_dma source(%dma_start3A_1 : memref<1024xi32, #tpu.memory_space<hbm>>) target(%arg8 : memref<1024xi32, #tpu.memory_space<vmem>>) target_semaphore(%arg14 : memref<!tpu.dma_semaphore, #tpu.memory_space<semaphore_mem>>)
    %dma_start3A_2 = tpu.memref_slice %arg3[%mul3A_0] : memref<16384xf32, #tpu.memory_space<hbm>> -> memref<1024xf32, #tpu.memory_space<hbm>>
    %dma_start3A_3 = tpu.memref_slice %arg3[%mul3A_0] : memref<16384xf32, #tpu.memory_space<hbm>> -> memref<1024xf32, #tpu.memory_space<hbm>>
    tpu.enqueue_dma source(%dma_start3A_3 : memref<1024xf32, #tpu.memory_space<hbm>>) target(%arg9 : memref<1024xf32, #tpu.memory_space<vmem>>) target_semaphore(%arg14 : memref<!tpu.dma_semaphore, #tpu.memory_space<semaphore_mem>>)
    %dma_start3A_4 = tpu.memref_slice %arg4[%mul3A_0] : memref<16384xf32, #tpu.memory_space<hbm>> -> memref<1024xf32, #tpu.memory_space<hbm>>
    %dma_start3A_5 = tpu.memref_slice %arg4[%mul3A_0] : memref<16384xf32, #tpu.memory_space<hbm>> -> memref<1024xf32, #tpu.memory_space<hbm>>
    tpu.enqueue_dma source(%dma_start3A_5 : memref<1024xf32, #tpu.memory_space<hbm>>) target(%arg10 : memref<1024xf32, #tpu.memory_space<vmem>>) target_semaphore(%arg14 : memref<!tpu.dma_semaphore, #tpu.memory_space<semaphore_mem>>)
    tpu.enqueue_dma source(%arg5 : memref<1024xf32, #tpu.memory_space<hbm>>) target(%arg11 : memref<1024xf32, #tpu.memory_space<vmem>>) target_semaphore(%arg14 : memref<!tpu.dma_semaphore, #tpu.memory_space<semaphore_mem>>)
    %dma_wait3A = tpu.memref_slice %arg2[%mul3A_0] : memref<16384xi32, #tpu.memory_space<hbm>> -> memref<1024xi32, #tpu.memory_space<hbm>>
    %dma_wait3A_6 = tpu.memref_slice %arg2[%mul3A_0] : memref<16384xi32, #tpu.memory_space<hbm>> -> memref<1024xi32, #tpu.memory_space<hbm>>
    tpu.wait_dma2 semaphore(%arg14 : memref<!tpu.dma_semaphore, #tpu.memory_space<semaphore_mem>>) src(%dma_wait3A_6 : memref<1024xi32, #tpu.memory_space<hbm>>) dst(%arg8 : memref<1024xi32, #tpu.memory_space<vmem>>)
    %dma_wait3A_7 = tpu.memref_slice %arg3[%mul3A_0] : memref<16384xf32, #tpu.memory_space<hbm>> -> memref<1024xf32, #tpu.memory_space<hbm>>
    %dma_wait3A_8 = tpu.memref_slice %arg3[%mul3A_0] : memref<16384xf32, #tpu.memory_space<hbm>> -> memref<1024xf32, #tpu.memory_space<hbm>>
    tpu.wait_dma2 semaphore(%arg14 : memref<!tpu.dma_semaphore, #tpu.memory_space<semaphore_mem>>) src(%dma_wait3A_8 : memref<1024xf32, #tpu.memory_space<hbm>>) dst(%arg9 : memref<1024xf32, #tpu.memory_space<vmem>>)
    %dma_wait3A_9 = tpu.memref_slice %arg4[%mul3A_0] : memref<16384xf32, #tpu.memory_space<hbm>> -> memref<1024xf32, #tpu.memory_space<hbm>>
    %dma_wait3A_10 = tpu.memref_slice %arg4[%mul3A_0] : memref<16384xf32, #tpu.memory_space<hbm>> -> memref<1024xf32, #tpu.memory_space<hbm>>
    tpu.wait_dma2 semaphore(%arg14 : memref<!tpu.dma_semaphore, #tpu.memory_space<semaphore_mem>>) src(%dma_wait3A_10 : memref<1024xf32, #tpu.memory_space<hbm>>) dst(%arg10 : memref<1024xf32, #tpu.memory_space<vmem>>)
    tpu.wait_dma2 semaphore(%arg14 : memref<!tpu.dma_semaphore, #tpu.memory_space<semaphore_mem>>) src(%arg5 : memref<1024xf32, #tpu.memory_space<hbm>>) dst(%arg11 : memref<1024xf32, #tpu.memory_space<vmem>>)
    %broadcast_in_dim3A = arith.constant 0.000000e+00 : f32
    %broadcast_in_dim3A_11 = vector.broadcast %broadcast_in_dim3A : f32 to vector<16xf32>
    %scan3A = arith.constant 0 : i32
    %scan3A_12 = arith.constant 16 : i32
    %scan3A_13 = arith.addi %scan3A, %scan3A_12 : i32
    %scan3A_14 = arith.constant 1 : i32
    %scan3A_15 = scf.for %scan3A_21 = %scan3A to %scan3A_13 step %scan3A_14 iter_args(%scan3A_22 = %broadcast_in_dim3A_11) -> (vector<16xf32>)  : i32 {
      %mul3A_23 = arith.constant 64 : i32
      %mul3A_24 = arith.muli %scan3A_21, %mul3A_23 : i32
      %add3A = arith.constant 0 : i32
      %add3A_25 = arith.addi %mul3A_24, %add3A : i32
      %get3A = arith.index_cast %add3A_25 : i32 to index
      %get3A_26 = tpu.vector_load %arg8[%get3A] {strides = array<i32>} : memref<1024xi32, #tpu.memory_space<vmem>>, vector<16xi32>,
      %gather3A = tpu.vector_load_idx %arg11[%get3A_26] : memref<1024xf32, #tpu.memory_space<vmem>>[vector<16xi32>], vector<16xf32>,
      %get3A_27 = arith.index_cast %add3A_25 : i32 to index
      %get3A_28 = tpu.vector_load %arg9[%get3A_27] {strides = array<i32>} : memref<1024xf32, #tpu.memory_space<vmem>>, vector<16xf32>,
      %ge3A = arith.cmpf oge, %get3A_28, %gather3A : vector<16xf32>
      %jit3A = arith.constant 1.000000e+00 : f32
      %jit3A_29 = arith.constant 0.000000e+00 : f32
      %broadcast_in_dim3A_30 = vector.broadcast %jit3A : f32 to vector<16xf32>
      %broadcast_in_dim3A_31 = vector.broadcast %jit3A_29 : f32 to vector<16xf32>
      %select_n3A = arith.select %ge3A, %broadcast_in_dim3A_30, %broadcast_in_dim3A_31 : vector<16xi1>, vector<16xf32>
      %swap3A_32 = arith.index_cast %add3A_25 : i32 to index
      %swap3A_33 = tpu.vector_load %arg12[%swap3A_32] {strides = array<i32>} : memref<1024xf32, #tpu.memory_space<vmem>>, vector<16xf32>,
      tpu.vector_store %arg12[%swap3A_32], %select_n3A {strides = array<i32>} : memref<1024xf32, #tpu.memory_space<vmem>>, vector<16xf32>,
      %get3A_34 = arith.index_cast %add3A_25 : i32 to index
      %get3A_35 = tpu.vector_load %arg10[%get3A_34] {strides = array<i32>} : memref<1024xf32, #tpu.memory_space<vmem>>, vector<16xf32>,
      %mul3A_36 = arith.mulf %get3A_35, %select_n3A : vector<16xf32>
      %add3A_37 = arith.addf %scan3A_22, %mul3A_36 : vector<16xf32>
      %mul3A_38 = arith.constant 64 : i32
      %mul3A_39 = arith.muli %scan3A_21, %mul3A_38 : i32
      %add3A_40 = arith.constant 16 : i32
      %add3A_41 = arith.addi %mul3A_39, %add3A_40 : i32
      %get3A_42 = arith.index_cast %add3A_41 : i32 to index
      %get3A_43 = tpu.vector_load %arg8[%get3A_42] {strides = array<i32>} : memref<1024xi32, #tpu.memory_space<vmem>>, vector<16xi32>,
      %gather3A_44 = tpu.vector_load_idx %arg11[%get3A_43] : memref<1024xf32, #tpu.memory_space<vmem>>[vector<16xi32>], vector<16xf32>,
      %get3A_45 = arith.index_cast %add3A_41 : i32 to index
      %get3A_46 = tpu.vector_load %arg9[%get3A_45] {strides = array<i32>} : memref<1024xf32, #tpu.memory_space<vmem>>, vector<16xf32>,
      %ge3A_47 = arith.cmpf oge, %get3A_46, %gather3A_44 : vector<16xf32>
      %jit3A_48 = arith.constant 1.000000e+00 : f32
      %jit3A_49 = arith.constant 0.000000e+00 : f32
      %broadcast_in_dim3A_50 = vector.broadcast %jit3A_48 : f32 to vector<16xf32>
      %broadcast_in_dim3A_51 = vector.broadcast %jit3A_49 : f32 to vector<16xf32>
      %select_n3A_52 = arith.select %ge3A_47, %broadcast_in_dim3A_50, %broadcast_in_dim3A_51 : vector<16xi1>, vector<16xf32>
      %swap3A_53 = arith.index_cast %add3A_41 : i32 to index
      %swap3A_54 = tpu.vector_load %arg12[%swap3A_53] {strides = array<i32>} : memref<1024xf32, #tpu.memory_space<vmem>>, vector<16xf32>,
      tpu.vector_store %arg12[%swap3A_53], %select_n3A_52 {strides = array<i32>} : memref<1024xf32, #tpu.memory_space<vmem>>, vector<16xf32>,
      %get3A_55 = arith.index_cast %add3A_41 : i32 to index
      %get3A_56 = tpu.vector_load %arg10[%get3A_55] {strides = array<i32>} : memref<1024xf32, #tpu.memory_space<vmem>>, vector<16xf32>,
      %mul3A_57 = arith.mulf %get3A_56, %select_n3A_52 : vector<16xf32>
      %add3A_58 = arith.addf %add3A_37, %mul3A_57 : vector<16xf32>
      %mul3A_59 = arith.constant 64 : i32
      %mul3A_60 = arith.muli %scan3A_21, %mul3A_59 : i32
      %add3A_61 = arith.constant 32 : i32
      %add3A_62 = arith.addi %mul3A_60, %add3A_61 : i32
      %get3A_63 = arith.index_cast %add3A_62 : i32 to index
      %get3A_64 = tpu.vector_load %arg8[%get3A_63] {strides = array<i32>} : memref<1024xi32, #tpu.memory_space<vmem>>, vector<16xi32>,
      %gather3A_65 = tpu.vector_load_idx %arg11[%get3A_64] : memref<1024xf32, #tpu.memory_space<vmem>>[vector<16xi32>], vector<16xf32>,
      %get3A_66 = arith.index_cast %add3A_62 : i32 to index
      %get3A_67 = tpu.vector_load %arg9[%get3A_66] {strides = array<i32>} : memref<1024xf32, #tpu.memory_space<vmem>>, vector<16xf32>,
      %ge3A_68 = arith.cmpf oge, %get3A_67, %gather3A_65 : vector<16xf32>
      %jit3A_69 = arith.constant 1.000000e+00 : f32
      %jit3A_70 = arith.constant 0.000000e+00 : f32
      %broadcast_in_dim3A_71 = vector.broadcast %jit3A_69 : f32 to vector<16xf32>
      %broadcast_in_dim3A_72 = vector.broadcast %jit3A_70 : f32 to vector<16xf32>
      %select_n3A_73 = arith.select %ge3A_68, %broadcast_in_dim3A_71, %broadcast_in_dim3A_72 : vector<16xi1>, vector<16xf32>
      %swap3A_74 = arith.index_cast %add3A_62 : i32 to index
      %swap3A_75 = tpu.vector_load %arg12[%swap3A_74] {strides = array<i32>} : memref<1024xf32, #tpu.memory_space<vmem>>, vector<16xf32>,
      tpu.vector_store %arg12[%swap3A_74], %select_n3A_73 {strides = array<i32>} : memref<1024xf32, #tpu.memory_space<vmem>>, vector<16xf32>,
      %get3A_76 = arith.index_cast %add3A_62 : i32 to index
      %get3A_77 = tpu.vector_load %arg10[%get3A_76] {strides = array<i32>} : memref<1024xf32, #tpu.memory_space<vmem>>, vector<16xf32>,
      %mul3A_78 = arith.mulf %get3A_77, %select_n3A_73 : vector<16xf32>
      %add3A_79 = arith.addf %add3A_58, %mul3A_78 : vector<16xf32>
      %mul3A_80 = arith.constant 64 : i32
      %mul3A_81 = arith.muli %scan3A_21, %mul3A_80 : i32
      %add3A_82 = arith.constant 48 : i32
      %add3A_83 = arith.addi %mul3A_81, %add3A_82 : i32
      %get3A_84 = arith.index_cast %add3A_83 : i32 to index
      %get3A_85 = tpu.vector_load %arg8[%get3A_84] {strides = array<i32>} : memref<1024xi32, #tpu.memory_space<vmem>>, vector<16xi32>,
      %gather3A_86 = tpu.vector_load_idx %arg11[%get3A_85] : memref<1024xf32, #tpu.memory_space<vmem>>[vector<16xi32>], vector<16xf32>,
      %get3A_87 = arith.index_cast %add3A_83 : i32 to index
      %get3A_88 = tpu.vector_load %arg9[%get3A_87] {strides = array<i32>} : memref<1024xf32, #tpu.memory_space<vmem>>, vector<16xf32>,
      %ge3A_89 = arith.cmpf oge, %get3A_88, %gather3A_86 : vector<16xf32>
      %jit3A_90 = arith.constant 1.000000e+00 : f32
      %jit3A_91 = arith.constant 0.000000e+00 : f32
      %broadcast_in_dim3A_92 = vector.broadcast %jit3A_90 : f32 to vector<16xf32>
      %broadcast_in_dim3A_93 = vector.broadcast %jit3A_91 : f32 to vector<16xf32>
      %select_n3A_94 = arith.select %ge3A_89, %broadcast_in_dim3A_92, %broadcast_in_dim3A_93 : vector<16xi1>, vector<16xf32>
      %swap3A_95 = arith.index_cast %add3A_83 : i32 to index
      %swap3A_96 = tpu.vector_load %arg12[%swap3A_95] {strides = array<i32>} : memref<1024xf32, #tpu.memory_space<vmem>>, vector<16xf32>,
      tpu.vector_store %arg12[%swap3A_95], %select_n3A_94 {strides = array<i32>} : memref<1024xf32, #tpu.memory_space<vmem>>, vector<16xf32>,
      %get3A_97 = arith.index_cast %add3A_83 : i32 to index
      %get3A_98 = tpu.vector_load %arg10[%get3A_97] {strides = array<i32>} : memref<1024xf32, #tpu.memory_space<vmem>>, vector<16xf32>,
      %mul3A_99 = arith.mulf %get3A_98, %select_n3A_94 : vector<16xf32>
      %add3A_100 = arith.addf %add3A_79, %mul3A_99 : vector<16xf32>
      scf.yield %add3A_100 : vector<16xf32>
    }
    %scan3A_16 = arith.constant 16 : i32
    %mul3A_17 = arith.constant 6.10351563E-5 : f32
    %mul3A_18 = vector.broadcast %mul3A_17 : f32 to vector<16xf32>
    %mul3A_19 = arith.mulf %scan3A_15, %mul3A_18 : vector<16xf32>
    %swap3A = arith.constant 0 : index
    %swap3A_20 = tpu.vector_load %arg13[%swap3A] {strides = array<i32>} : memref<16xf32, #tpu.memory_space<vmem>>, vector<16xf32>,
    tpu.vector_store %arg13[%swap3A], %mul3A_19 {strides = array<i32>} : memref<16xf32, #tpu.memory_space<vmem>>, vector<16xf32>,
    "tpu.region"() ({
      %run_scoped3A = tpu.sem_alloc : memref<!tpu.dma_semaphore, #tpu.memory_space<semaphore_mem>>
      %dma_start3A_21 = tpu.memref_slice %arg6[%mul3A_0] : memref<16384xf32, #tpu.memory_space<hbm>> -> memref<1024xf32, #tpu.memory_space<hbm>>
      %dma_start3A_22 = tpu.memref_slice %arg6[%mul3A_0] : memref<16384xf32, #tpu.memory_space<hbm>> -> memref<1024xf32, #tpu.memory_space<hbm>>
      tpu.enqueue_dma source(%arg12 : memref<1024xf32, #tpu.memory_space<vmem>>) target(%dma_start3A_22 : memref<1024xf32, #tpu.memory_space<hbm>>) target_semaphore(%run_scoped3A : memref<!tpu.dma_semaphore, #tpu.memory_space<semaphore_mem>>)
      %dma_wait3A_23 = tpu.memref_slice %arg6[%mul3A_0] : memref<16384xf32, #tpu.memory_space<hbm>> -> memref<1024xf32, #tpu.memory_space<hbm>>
      %dma_wait3A_24 = tpu.memref_slice %arg6[%mul3A_0] : memref<16384xf32, #tpu.memory_space<hbm>> -> memref<1024xf32, #tpu.memory_space<hbm>>
      tpu.wait_dma2 semaphore(%run_scoped3A : memref<!tpu.dma_semaphore, #tpu.memory_space<semaphore_mem>>) src(%arg12 : memref<1024xf32, #tpu.memory_space<vmem>>) dst(%dma_wait3A_24 : memref<1024xf32, #tpu.memory_space<hbm>>)
      tpu.yield
    }) : () -> ()
    "tpu.region"() ({
      %run_scoped3A = tpu.sem_alloc : memref<!tpu.dma_semaphore, #tpu.memory_space<semaphore_mem>>
      %dma_start3A_21 = arith.constant 0 : i32
      %dma_start3A_22 = tpu.memref_slice %arg7[%arg1, %dma_start3A_21] : memref<16x16xf32, #tpu.memory_space<hbm>> -> memref<1x16xf32, #tpu.memory_space<hbm>>
      %dma_start3A_23 = tpu.memref_squeeze %dma_start3A_22 : memref<1x16xf32, #tpu.memory_space<hbm>> -> memref<16xf32, #tpu.memory_space<hbm>>
      %dma_start3A_24 = arith.constant 0 : i32
      %dma_start3A_25 = tpu.memref_slice %arg7[%arg1, %dma_start3A_24] : memref<16x16xf32, #tpu.memory_space<hbm>> -> memref<1x16xf32, #tpu.memory_space<hbm>>
      %dma_start3A_26 = tpu.memref_squeeze %dma_start3A_25 : memref<1x16xf32, #tpu.memory_space<hbm>> -> memref<16xf32, #tpu.memory_space<hbm>>
      tpu.enqueue_dma source(%arg13 : memref<16xf32, #tpu.memory_space<vmem>>) target(%dma_start3A_26 : memref<16xf32, #tpu.memory_space<hbm>>) target_semaphore(%run_scoped3A : memref<!tpu.dma_semaphore, #tpu.memory_space<semaphore_mem>>)
      %dma_wait3A_27 = arith.constant 0 : i32
      %dma_wait3A_28 = tpu.memref_slice %arg7[%arg1, %dma_wait3A_27] : memref<16x16xf32, #tpu.memory_space<hbm>> -> memref<1x16xf32, #tpu.memory_space<hbm>>
      %dma_wait3A_29 = tpu.memref_squeeze %dma_wait3A_28 : memref<1x16xf32, #tpu.memory_space<hbm>> -> memref<16xf32, #tpu.memory_space<hbm>>
      %dma_wait3A_30 = arith.constant 0 : i32
      %dma_wait3A_31 = tpu.memref_slice %arg7[%arg1, %dma_wait3A_30] : memref<16x16xf32, #tpu.memory_space<hbm>> -> memref<1x16xf32, #tpu.memory_space<hbm>>
      %dma_wait3A_32 = tpu.memref_squeeze %dma_wait3A_31 : memref<1x16xf32, #tpu.memory_space<hbm>> -> memref<16xf32, #tpu.memory_space<hbm>>
      tpu.wait_dma2 semaphore(%run_scoped3A : memref<!tpu.dma_semaphore, #tpu.memory_space<semaphore_mem>>) src(%arg13 : memref<16xf32, #tpu.memory_space<vmem>>) dst(%dma_wait3A_32 : memref<16xf32, #tpu.memory_space<hbm>>)
      tpu.yield
    }) : () -> ()
    return
  }
}

module attributes {stable_mosaic.version = 14 : i64} {
  func.func @_phase1_body(%arg0: i32, %arg1: memref<1xf32, #tpu.memory_space<smem>>, %arg2: memref<1000xf32, #tpu.memory_space<vmem>>, %arg3: memref<1000x512xf32, #tpu.memory_space<vmem>>, %arg4: memref<1000x512xf32, #tpu.memory_space<vmem>>, %arg5: memref<1000x512xf32, #tpu.memory_space<vmem>>, %arg6: memref<1000x512xf32, #tpu.memory_space<vmem>>, %arg7: memref<1024xf32, #tpu.memory_space<vmem>>, %arg8: memref<1024xi32, #tpu.memory_space<vmem>>, %arg9: memref<1024xf32, #tpu.memory_space<vmem>>, %arg10: memref<1024xf32, #tpu.memory_space<vmem>>, %arg11: memref<1000x1xf32, #tpu.memory_space<vmem>>, %arg12: memref<1xf32, #tpu.memory_space<smem>>) attributes {dimension_semantics = [#tpu.dimension_semantics<arbitrary>], iteration_bounds = array<i64: 16>, scalar_prefetch = 0 : i64, scratch_operands = 2 : i64, tpu.core_type = #tpu.core_type<tc>, window_params = [{transform_indices = @transform_0, window_bounds = array<i64: 1>}, {pipeline_mode = #tpu.pipeline_mode<synchronous>, transform_indices = @transform_1, window_bounds = array<i64: 1000>}, {transform_indices = @transform_2, window_bounds = array<i64: 1000, 512>}, {transform_indices = @transform_3, window_bounds = array<i64: 1000, 512>}, {transform_indices = @transform_4, window_bounds = array<i64: 1000, 512>}, {transform_indices = @transform_5, window_bounds = array<i64: 1000, 512>}, {transform_indices = @transform_6, window_bounds = array<i64: 1024>}, {transform_indices = @transform_7, window_bounds = array<i64: 1024>}, {transform_indices = @transform_8, window_bounds = array<i64: 1024>}, {pipeline_mode = #tpu.pipeline_mode<synchronous>, transform_indices = @transform_9, window_bounds = array<i64: 1024>}]} {
    %eq3A = arith.constant 0 : i32
    %eq3A_0 = arith.cmpi eq, %arg0, %eq3A : i32
    %convert_element_type3A = arith.extui %eq3A_0 : i1 to i32
    %cond3A = arith.constant 0 : i32
    %cond3A_1 = arith.cmpi ne, %convert_element_type3A, %cond3A : i32
    scf.if %cond3A_1 {
      %broadcast_in_dim3A_138 = arith.constant 0.000000e+00 : f32
      %broadcast_in_dim3A_139 = vector.broadcast %broadcast_in_dim3A_138 : f32 to vector<1000x1xf32>
      %swap3A_140 = arith.constant 0 : index
      %swap3A_141 = arith.constant 0 : index
      %swap3A_142 = vector.load %arg11[%swap3A_140, %swap3A_141] : memref<1000x1xf32, #tpu.memory_space<vmem>>, vector<1000x1xf32>
      tpu.vector_store %arg11[%swap3A_140, %swap3A_141], %broadcast_in_dim3A_139 {strides = array<i32>} : memref<1000x1xf32, #tpu.memory_space<vmem>>, vector<1000x1xf32>,
      %swap3A_143 = arith.constant 0.000000e+00 : f32
      %swap3A_144 = arith.constant 0 : index
      %swap3A_145 = memref.load %arg12[%swap3A_144] : memref<1xf32, #tpu.memory_space<smem>>
      memref.store %swap3A_143, %arg12[%swap3A_144] : memref<1xf32, #tpu.memory_space<smem>>
    } else {
    }
    %get3A = arith.constant 0 : index
    %get3A_2 = arith.constant 0 : index
    %get3A_3 = vector.load %arg3[%get3A, %get3A_2] : memref<1000x512xf32, #tpu.memory_space<vmem>>, vector<1000x512xf32>
    %get3A_4 = arith.constant 0 : index
    %get3A_5 = arith.constant 0 : index
    %get3A_6 = vector.load %arg4[%get3A_4, %get3A_5] : memref<1000x512xf32, #tpu.memory_space<vmem>>, vector<1000x512xf32>
    %broadcast_in_dim3A = arith.constant 1.000000e+00 : f32
    %broadcast_in_dim3A_7 = vector.broadcast %broadcast_in_dim3A : f32 to vector<1x1000xf32>
    %reduce_max3A = arith.constant dense<0xFF800000> : vector<512xf32>
    %reduce_max3A_8 = vector.multi_reduction <maximumf>, %get3A_3, %reduce_max3A [0] : vector<1000x512xf32> to vector<512xf32>
    %broadcast_in_dim3A_9 = vector.shape_cast %reduce_max3A_8 : vector<512xf32> to vector<1x512xf32>
    %iota3A = tpu.iota {dimensions = array<i32: 0>} : vector<1000x512xi32>
    %eq3A_10 = vector.broadcast %broadcast_in_dim3A_9 : vector<1x512xf32> to vector<1000x512xf32>
    %eq3A_11 = arith.cmpf oeq, %get3A_3, %eq3A_10 : vector<1000x512xf32>
    %jit3A = arith.constant 1000 : i32
    %broadcast_in_dim3A_12 = vector.broadcast %jit3A : i32 to vector<1000x512xi32>
    %select_n3A = arith.select %eq3A_11, %iota3A, %broadcast_in_dim3A_12 : vector<1000x512xi1>, vector<1000x512xi32>
    %reduce_min3A = arith.constant dense<2147483647> : vector<512xi32>
    %reduce_min3A_13 = vector.multi_reduction <minsi>, %select_n3A, %reduce_min3A [0] : vector<1000x512xi32> to vector<512xi32>
    %sub3A = vector.broadcast %broadcast_in_dim3A_9 : vector<1x512xf32> to vector<1000x512xf32>
    %sub3A_14 = arith.subf %get3A_3, %sub3A : vector<1000x512xf32>
    %exp3A = math.exp %sub3A_14 : vector<1000x512xf32>
    %dot_general3A = arith.constant dense<0.000000e+00> : vector<1x512xf32>
    %dot_general3A_15 = tpu.matmul %broadcast_in_dim3A_7, %exp3A, %dot_general3A {dimension_numbers = #tpu.dot_dimension_numbers<[1], [0], [0], [1], [0, 0, 1, 1], [], []>, transpose_lhs_hint = false} : vector<1x1000xf32>, vector<1000x512xf32>, vector<1x512xf32> -> vector<1x512xf32>
    %squeeze3A = vector.shape_cast %dot_general3A_15 : vector<1x512xf32> to vector<512xf32>
    %div3A = arith.constant 1.000000e+00 : f32
    %div3A_16 = vector.broadcast %div3A : f32 to vector<512xf32>
    %div3A_17 = arith.divf %div3A_16, %squeeze3A : vector<512xf32>
    %get3A_18 = arith.constant 0 : index
    %get3A_19 = arith.constant 0 : index
    %get3A_20 = vector.load %arg11[%get3A_18, %get3A_19] : memref<1000x1xf32, #tpu.memory_space<vmem>>, vector<1000x1xf32>
    %reshape3A = vector.shape_cast %div3A_17 : vector<512xf32> to vector<512x1xf32>
    %dot_general3A_21 = arith.constant dense<0.000000e+00> : vector<1000x1xf32>
    %dot_general3A_22 = tpu.matmul %exp3A, %reshape3A, %dot_general3A_21 {dimension_numbers = #tpu.dot_dimension_numbers<[1], [0], [0], [1], [0, 0, 1, 1], [], []>, transpose_lhs_hint = false} : vector<1000x512xf32>, vector<512x1xf32>, vector<1000x1xf32> -> vector<1000x1xf32>
    %add3A = arith.addf %get3A_20, %dot_general3A_22 : vector<1000x1xf32>
    %swap3A = arith.constant 0 : index
    %swap3A_23 = arith.constant 0 : index
    %swap3A_24 = vector.load %arg11[%swap3A, %swap3A_23] : memref<1000x1xf32, #tpu.memory_space<vmem>>, vector<1000x1xf32>
    tpu.vector_store %arg11[%swap3A, %swap3A_23], %add3A {strides = array<i32>} : memref<1000x1xf32, #tpu.memory_space<vmem>>, vector<1000x1xf32>,
    %reduce_max3A_25 = arith.constant dense<0xFF800000> : vector<512xf32>
    %reduce_max3A_26 = vector.multi_reduction <maximumf>, %get3A_6, %reduce_max3A_25 [0] : vector<1000x512xf32> to vector<512xf32>
    %broadcast_in_dim3A_27 = vector.shape_cast %reduce_max3A_26 : vector<512xf32> to vector<1x512xf32>
    %sub3A_28 = vector.broadcast %broadcast_in_dim3A_27 : vector<1x512xf32> to vector<1000x512xf32>
    %sub3A_29 = arith.subf %get3A_6, %sub3A_28 : vector<1000x512xf32>
    %exp3A_30 = math.exp %sub3A_29 : vector<1000x512xf32>
    %dot_general3A_31 = arith.constant dense<0.000000e+00> : vector<1x512xf32>
    %dot_general3A_32 = tpu.matmul %broadcast_in_dim3A_7, %exp3A_30, %dot_general3A_31 {dimension_numbers = #tpu.dot_dimension_numbers<[1], [0], [0], [1], [0, 0, 1, 1], [], []>, transpose_lhs_hint = false} : vector<1x1000xf32>, vector<1000x512xf32>, vector<1x512xf32> -> vector<1x512xf32>
    %squeeze3A_33 = vector.shape_cast %dot_general3A_32 : vector<1x512xf32> to vector<512xf32>
    %squeeze3A_34 = vector.shape_cast %broadcast_in_dim3A_27 : vector<1x512xf32> to vector<512xf32>
    %log3A = math.log %squeeze3A_33 : vector<512xf32>
    %add3A_35 = arith.addf %squeeze3A_34, %log3A : vector<512xf32>
    %broadcast_in_dim3A_36 = vector.shape_cast %reduce_min3A_13 : vector<512xi32> to vector<1x512xi32>
    %eq3A_37 = vector.broadcast %broadcast_in_dim3A_36 : vector<1x512xi32> to vector<1000x512xi32>
    %eq3A_38 = arith.cmpi eq, %iota3A, %eq3A_37 : vector<1000x512xi32>
    %jit3A_39 = arith.constant 0.000000e+00 : f32
    %broadcast_in_dim3A_40 = vector.broadcast %jit3A_39 : f32 to vector<1000x512xf32>
    %select_n3A_41 = arith.select %eq3A_38, %get3A_6, %broadcast_in_dim3A_40 : vector<1000x512xi1>, vector<1000x512xf32>
    %dot_general3A_42 = arith.constant dense<0.000000e+00> : vector<1x512xf32>
    %dot_general3A_43 = tpu.matmul %broadcast_in_dim3A_7, %select_n3A_41, %dot_general3A_42 {dimension_numbers = #tpu.dot_dimension_numbers<[1], [0], [0], [1], [0, 0, 1, 1], [], []>, transpose_lhs_hint = false} : vector<1x1000xf32>, vector<1000x512xf32>, vector<1x512xf32> -> vector<1x512xf32>
    %squeeze3A_44 = vector.shape_cast %dot_general3A_43 : vector<1x512xf32> to vector<512xf32>
    %sub3A_45 = arith.subf %add3A_35, %squeeze3A_44 : vector<512xf32>
    %get3A_46 = arith.constant 0 : index
    %get3A_47 = arith.constant 0 : index
    %get3A_48 = vector.load %arg5[%get3A_46, %get3A_47] : memref<1000x512xf32, #tpu.memory_space<vmem>>, vector<1000x512xf32>
    %get3A_49 = arith.constant 0 : index
    %get3A_50 = arith.constant 0 : index
    %get3A_51 = vector.load %arg6[%get3A_49, %get3A_50] : memref<1000x512xf32, #tpu.memory_space<vmem>>, vector<1000x512xf32>
    %broadcast_in_dim3A_52 = arith.constant 1.000000e+00 : f32
    %broadcast_in_dim3A_53 = vector.broadcast %broadcast_in_dim3A_52 : f32 to vector<1x1000xf32>
    %reduce_max3A_54 = arith.constant dense<0xFF800000> : vector<512xf32>
    %reduce_max3A_55 = vector.multi_reduction <maximumf>, %get3A_48, %reduce_max3A_54 [0] : vector<1000x512xf32> to vector<512xf32>
    %broadcast_in_dim3A_56 = vector.shape_cast %reduce_max3A_55 : vector<512xf32> to vector<1x512xf32>
    %iota3A_57 = tpu.iota {dimensions = array<i32: 0>} : vector<1000x512xi32>
    %eq3A_58 = vector.broadcast %broadcast_in_dim3A_56 : vector<1x512xf32> to vector<1000x512xf32>
    %eq3A_59 = arith.cmpf oeq, %get3A_48, %eq3A_58 : vector<1000x512xf32>
    %jit3A_60 = arith.constant 1000 : i32
    %broadcast_in_dim3A_61 = vector.broadcast %jit3A_60 : i32 to vector<1000x512xi32>
    %select_n3A_62 = arith.select %eq3A_59, %iota3A_57, %broadcast_in_dim3A_61 : vector<1000x512xi1>, vector<1000x512xi32>
    %reduce_min3A_63 = arith.constant dense<2147483647> : vector<512xi32>
    %reduce_min3A_64 = vector.multi_reduction <minsi>, %select_n3A_62, %reduce_min3A_63 [0] : vector<1000x512xi32> to vector<512xi32>
    %sub3A_65 = vector.broadcast %broadcast_in_dim3A_56 : vector<1x512xf32> to vector<1000x512xf32>
    %sub3A_66 = arith.subf %get3A_48, %sub3A_65 : vector<1000x512xf32>
    %exp3A_67 = math.exp %sub3A_66 : vector<1000x512xf32>
    %dot_general3A_68 = arith.constant dense<0.000000e+00> : vector<1x512xf32>
    %dot_general3A_69 = tpu.matmul %broadcast_in_dim3A_53, %exp3A_67, %dot_general3A_68 {dimension_numbers = #tpu.dot_dimension_numbers<[1], [0], [0], [1], [0, 0, 1, 1], [], []>, transpose_lhs_hint = false} : vector<1x1000xf32>, vector<1000x512xf32>, vector<1x512xf32> -> vector<1x512xf32>
    %squeeze3A_70 = vector.shape_cast %dot_general3A_69 : vector<1x512xf32> to vector<512xf32>
    %div3A_71 = arith.constant 1.000000e+00 : f32
    %div3A_72 = vector.broadcast %div3A_71 : f32 to vector<512xf32>
    %div3A_73 = arith.divf %div3A_72, %squeeze3A_70 : vector<512xf32>
    %get3A_74 = arith.constant 0 : index
    %get3A_75 = arith.constant 0 : index
    %get3A_76 = vector.load %arg11[%get3A_74, %get3A_75] : memref<1000x1xf32, #tpu.memory_space<vmem>>, vector<1000x1xf32>
    %reshape3A_77 = vector.shape_cast %div3A_73 : vector<512xf32> to vector<512x1xf32>
    %dot_general3A_78 = arith.constant dense<0.000000e+00> : vector<1000x1xf32>
    %dot_general3A_79 = tpu.matmul %exp3A_67, %reshape3A_77, %dot_general3A_78 {dimension_numbers = #tpu.dot_dimension_numbers<[1], [0], [0], [1], [0, 0, 1, 1], [], []>, transpose_lhs_hint = false} : vector<1000x512xf32>, vector<512x1xf32>, vector<1000x1xf32> -> vector<1000x1xf32>
    %add3A_80 = arith.addf %get3A_76, %dot_general3A_79 : vector<1000x1xf32>
    %swap3A_81 = arith.constant 0 : index
    %swap3A_82 = arith.constant 0 : index
    %swap3A_83 = vector.load %arg11[%swap3A_81, %swap3A_82] : memref<1000x1xf32, #tpu.memory_space<vmem>>, vector<1000x1xf32>
    tpu.vector_store %arg11[%swap3A_81, %swap3A_82], %add3A_80 {strides = array<i32>} : memref<1000x1xf32, #tpu.memory_space<vmem>>, vector<1000x1xf32>,
    %reduce_max3A_84 = arith.constant dense<0xFF800000> : vector<512xf32>
    %reduce_max3A_85 = vector.multi_reduction <maximumf>, %get3A_51, %reduce_max3A_84 [0] : vector<1000x512xf32> to vector<512xf32>
    %broadcast_in_dim3A_86 = vector.shape_cast %reduce_max3A_85 : vector<512xf32> to vector<1x512xf32>
    %sub3A_87 = vector.broadcast %broadcast_in_dim3A_86 : vector<1x512xf32> to vector<1000x512xf32>
    %sub3A_88 = arith.subf %get3A_51, %sub3A_87 : vector<1000x512xf32>
    %exp3A_89 = math.exp %sub3A_88 : vector<1000x512xf32>
    %dot_general3A_90 = arith.constant dense<0.000000e+00> : vector<1x512xf32>
    %dot_general3A_91 = tpu.matmul %broadcast_in_dim3A_53, %exp3A_89, %dot_general3A_90 {dimension_numbers = #tpu.dot_dimension_numbers<[1], [0], [0], [1], [0, 0, 1, 1], [], []>, transpose_lhs_hint = false} : vector<1x1000xf32>, vector<1000x512xf32>, vector<1x512xf32> -> vector<1x512xf32>
    %squeeze3A_92 = vector.shape_cast %dot_general3A_91 : vector<1x512xf32> to vector<512xf32>
    %squeeze3A_93 = vector.shape_cast %broadcast_in_dim3A_86 : vector<1x512xf32> to vector<512xf32>
    %log3A_94 = math.log %squeeze3A_92 : vector<512xf32>
    %add3A_95 = arith.addf %squeeze3A_93, %log3A_94 : vector<512xf32>
    %broadcast_in_dim3A_96 = vector.shape_cast %reduce_min3A_64 : vector<512xi32> to vector<1x512xi32>
    %eq3A_97 = vector.broadcast %broadcast_in_dim3A_96 : vector<1x512xi32> to vector<1000x512xi32>
    %eq3A_98 = arith.cmpi eq, %iota3A_57, %eq3A_97 : vector<1000x512xi32>
    %jit3A_99 = arith.constant 0.000000e+00 : f32
    %broadcast_in_dim3A_100 = vector.broadcast %jit3A_99 : f32 to vector<1000x512xf32>
    %select_n3A_101 = arith.select %eq3A_98, %get3A_51, %broadcast_in_dim3A_100 : vector<1000x512xi1>, vector<1000x512xf32>
    %dot_general3A_102 = arith.constant dense<0.000000e+00> : vector<1x512xf32>
    %dot_general3A_103 = tpu.matmul %broadcast_in_dim3A_53, %select_n3A_101, %dot_general3A_102 {dimension_numbers = #tpu.dot_dimension_numbers<[1], [0], [0], [1], [0, 0, 1, 1], [], []>, transpose_lhs_hint = false} : vector<1x1000xf32>, vector<1000x512xf32>, vector<1x512xf32> -> vector<1x512xf32>
    %squeeze3A_104 = vector.shape_cast %dot_general3A_103 : vector<1x512xf32> to vector<512xf32>
    %sub3A_105 = arith.subf %add3A_95, %squeeze3A_104 : vector<512xf32>
    %get3A_106 = arith.constant 0 : index
    %get3A_107 = memref.load %arg12[%get3A_106] : memref<1xf32, #tpu.memory_space<smem>>
    %reduce_sum3A = vector.shape_cast %div3A_17 : vector<512xf32> to vector<1x512xf32>
    %reduce_sum3A_108 = arith.constant dense<0.000000e+00> : vector<1xf32>
    %reduce_sum3A_109 = vector.multi_reduction <add>, %reduce_sum3A, %reduce_sum3A_108 [1] : vector<1x512xf32> to vector<1xf32>
    %reduce_sum3A_110 = vector.shape_cast %reduce_sum3A_109 : vector<1xf32> to vector<1x1xf32>
    %reduce_sum3A_111 = vector.extract %reduce_sum3A_110[0, 0] : f32 from vector<1x1xf32>
    %reduce_sum3A_112 = vector.shape_cast %div3A_73 : vector<512xf32> to vector<1x512xf32>
    %reduce_sum3A_113 = arith.constant dense<0.000000e+00> : vector<1xf32>
    %reduce_sum3A_114 = vector.multi_reduction <add>, %reduce_sum3A_112, %reduce_sum3A_113 [1] : vector<1x512xf32> to vector<1xf32>
    %reduce_sum3A_115 = vector.shape_cast %reduce_sum3A_114 : vector<1xf32> to vector<1x1xf32>
    %reduce_sum3A_116 = vector.extract %reduce_sum3A_115[0, 0] : f32 from vector<1x1xf32>
    %add3A_117 = arith.addf %reduce_sum3A_111, %reduce_sum3A_116 : f32
    %add3A_118 = arith.addf %get3A_107, %add3A_117 : f32
    %swap3A_119 = arith.constant 0 : index
    %swap3A_120 = memref.load %arg12[%swap3A_119] : memref<1xf32, #tpu.memory_space<smem>>
    memref.store %add3A_118, %arg12[%swap3A_119] : memref<1xf32, #tpu.memory_space<smem>>
    %swap3A_121 = arith.constant 0 : index
    %swap3A_122 = vector.load %arg7[%swap3A_121] : memref<1024xf32, #tpu.memory_space<vmem>>, vector<512xf32>
    tpu.vector_store %arg7[%swap3A_121], %div3A_17 {strides = array<i32>} : memref<1024xf32, #tpu.memory_space<vmem>>, vector<512xf32>,
    %swap3A_123 = arith.constant 512 : index
    %swap3A_124 = vector.load %arg7[%swap3A_123] : memref<1024xf32, #tpu.memory_space<vmem>>, vector<512xf32>
    tpu.vector_store %arg7[%swap3A_123], %div3A_73 {strides = array<i32>} : memref<1024xf32, #tpu.memory_space<vmem>>, vector<512xf32>,
    %swap3A_125 = arith.constant 0 : index
    %swap3A_126 = vector.load %arg8[%swap3A_125] : memref<1024xi32, #tpu.memory_space<vmem>>, vector<512xi32>
    tpu.vector_store %arg8[%swap3A_125], %reduce_min3A_13 {strides = array<i32>} : memref<1024xi32, #tpu.memory_space<vmem>>, vector<512xi32>,
    %swap3A_127 = arith.constant 512 : index
    %swap3A_128 = vector.load %arg8[%swap3A_127] : memref<1024xi32, #tpu.memory_space<vmem>>, vector<512xi32>
    tpu.vector_store %arg8[%swap3A_127], %reduce_min3A_64 {strides = array<i32>} : memref<1024xi32, #tpu.memory_space<vmem>>, vector<512xi32>,
    %swap3A_129 = arith.constant 0 : index
    %swap3A_130 = vector.load %arg9[%swap3A_129] : memref<1024xf32, #tpu.memory_space<vmem>>, vector<512xf32>
    tpu.vector_store %arg9[%swap3A_129], %sub3A_45 {strides = array<i32>} : memref<1024xf32, #tpu.memory_space<vmem>>, vector<512xf32>,
    %swap3A_131 = arith.constant 512 : index
    %swap3A_132 = vector.load %arg9[%swap3A_131] : memref<1024xf32, #tpu.memory_space<vmem>>, vector<512xf32>
    tpu.vector_store %arg9[%swap3A_131], %sub3A_105 {strides = array<i32>} : memref<1024xf32, #tpu.memory_space<vmem>>, vector<512xf32>,
    %eq3A_133 = arith.constant 15 : i32
    %eq3A_134 = arith.cmpi eq, %arg0, %eq3A_133 : i32
    %convert_element_type3A_135 = arith.extui %eq3A_134 : i1 to i32
    %cond3A_136 = arith.constant 0 : i32
    %cond3A_137 = arith.cmpi ne, %convert_element_type3A_135, %cond3A_136 : i32
    scf.if %cond3A_137 {
      %get3A_138 = arith.constant 0 : index
      %get3A_139 = arith.constant 0 : index
      %get3A_140 = vector.load %arg11[%get3A_138, %get3A_139] : memref<1000x1xf32, #tpu.memory_space<vmem>>, vector<1000x1xf32>
      %reshape3A_141 = vector.shape_cast %get3A_140 : vector<1000x1xf32> to vector<1x1000xf32>
      %squeeze3A_142 = vector.shape_cast %reshape3A_141 : vector<1x1000xf32> to vector<1000xf32>
      %get3A_143 = arith.constant 0 : index
      %get3A_144 = vector.load %arg2[%get3A_143] : memref<1000xf32, #tpu.memory_space<vmem>>, vector<1000xf32>
      %mul3A = arith.constant 9.990000e-01 : f32
      %mul3A_145 = vector.broadcast %mul3A : f32 to vector<1000xf32>
      %mul3A_146 = arith.mulf %get3A_144, %mul3A_145 : vector<1000xf32>
      %div3A_147 = arith.constant 1.638400e+04 : f32
      %div3A_148 = vector.broadcast %div3A_147 : f32 to vector<1000xf32>
      %div3A_149 = arith.divf %squeeze3A_142, %div3A_148 : vector<1000xf32>
      %mul3A_150 = arith.constant 1.000000e-03 : f32
      %mul3A_151 = vector.broadcast %mul3A_150 : f32 to vector<1000xf32>
      %mul3A_152 = arith.mulf %mul3A_151, %div3A_149 : vector<1000xf32>
      %add3A_153 = arith.addf %mul3A_146, %mul3A_152 : vector<1000xf32>
      %get3A_154 = arith.constant 0 : index
      %get3A_155 = memref.load %arg1[%get3A_154] : memref<1xf32, #tpu.memory_space<smem>>
      %mul3A_156 = arith.constant 9.990000e-01 : f32
      %mul3A_157 = arith.mulf %get3A_155, %mul3A_156 : f32
      %get3A_158 = arith.constant 0 : index
      %get3A_159 = memref.load %arg12[%get3A_158] : memref<1xf32, #tpu.memory_space<smem>>
      %div3A_160 = arith.constant 1.638400e+04 : f32
      %div3A_161 = arith.divf %get3A_159, %div3A_160 : f32
      %mul3A_162 = arith.constant 1.000000e-03 : f32
      %mul3A_163 = arith.mulf %mul3A_162, %div3A_161 : f32
      %add3A_164 = arith.addf %mul3A_157, %mul3A_163 : f32
      %reduce_max3A_165 = vector.shape_cast %add3A_153 : vector<1000xf32> to vector<1x1000xf32>
      %reduce_max3A_166 = arith.constant dense<0xFF800000> : vector<1xf32>
      %reduce_max3A_167 = vector.multi_reduction <maximumf>, %reduce_max3A_165, %reduce_max3A_166 [1] : vector<1x1000xf32> to vector<1xf32>
      %reduce_max3A_168 = vector.shape_cast %reduce_max3A_167 : vector<1xf32> to vector<1x1xf32>
      %reduce_max3A_169 = vector.extract %reduce_max3A_168[0, 0] : f32 from vector<1x1xf32>
      %div3A_170 = arith.divf %add3A_164, %reduce_max3A_169 : f32
      %mul3A_171 = vector.broadcast %div3A_170 : f32 to vector<1000xf32>
      %mul3A_172 = arith.mulf %add3A_153, %mul3A_171 : vector<1000xf32>
      %swap3A_173 = arith.constant 0 : index
      %swap3A_174 = vector.load %arg10[%swap3A_173] : memref<1024xf32, #tpu.memory_space<vmem>>, vector<1000xf32>
      tpu.vector_store %arg10[%swap3A_173], %mul3A_172 {strides = array<i32>} : memref<1024xf32, #tpu.memory_space<vmem>>, vector<1000xf32>,
      %broadcast_in_dim3A_175 = arith.constant 0.000000e+00 : f32
      %broadcast_in_dim3A_176 = vector.broadcast %broadcast_in_dim3A_175 : f32 to vector<24xf32>
      %swap3A_177 = arith.constant 1000 : index
      %swap3A_178 = vector.load %arg10[%swap3A_177] : memref<1024xf32, #tpu.memory_space<vmem>>, vector<24xf32>
      tpu.vector_store %arg10[%swap3A_177], %broadcast_in_dim3A_176 {strides = array<i32>} : memref<1024xf32, #tpu.memory_space<vmem>>, vector<24xf32>,
    } else {
    }
    return
  }
  func.func @transform_0(%arg0: i32) -> i32 {
    %c0_i32 = arith.constant 0 : i32
    %c0_i32_0 = arith.constant 0 : i32
    return %c0_i32 : i32
  }
  func.func @transform_1(%arg0: i32) -> i32 {
    %c0_i32 = arith.constant 0 : i32
    %c0_i32_0 = arith.constant 0 : i32
    return %c0_i32 : i32
  }
  func.func @transform_2(%arg0: i32) -> (i32, i32) {
    %mul3A = arith.constant 2 : i32
    %mul3A_0 = arith.muli %mul3A, %arg0 : i32
    %c0_i32 = arith.constant 0 : i32
    %c0_i32_1 = arith.constant 0 : i32
    return %c0_i32, %mul3A_0 : i32, i32
  }
  func.func @transform_3(%arg0: i32) -> (i32, i32) {
    %mul3A = arith.constant 2 : i32
    %mul3A_0 = arith.muli %mul3A, %arg0 : i32
    %c0_i32 = arith.constant 0 : i32
    %c0_i32_1 = arith.constant 0 : i32
    return %c0_i32, %mul3A_0 : i32, i32
  }
  func.func @transform_4(%arg0: i32) -> (i32, i32) {
    %mul3A = arith.constant 2 : i32
    %mul3A_0 = arith.muli %mul3A, %arg0 : i32
    %add3A = arith.constant 1 : i32
    %add3A_1 = arith.addi %mul3A_0, %add3A : i32
    %c0_i32 = arith.constant 0 : i32
    %c0_i32_2 = arith.constant 0 : i32
    return %c0_i32, %add3A_1 : i32, i32
  }
  func.func @transform_5(%arg0: i32) -> (i32, i32) {
    %mul3A = arith.constant 2 : i32
    %mul3A_0 = arith.muli %mul3A, %arg0 : i32
    %add3A = arith.constant 1 : i32
    %add3A_1 = arith.addi %mul3A_0, %add3A : i32
    %c0_i32 = arith.constant 0 : i32
    %c0_i32_2 = arith.constant 0 : i32
    return %c0_i32, %add3A_1 : i32, i32
  }
  func.func @transform_6(%arg0: i32) -> i32 {
    %c0_i32 = arith.constant 0 : i32
    return %arg0 : i32
  }
  func.func @transform_7(%arg0: i32) -> i32 {
    %c0_i32 = arith.constant 0 : i32
    return %arg0 : i32
  }
  func.func @transform_8(%arg0: i32) -> i32 {
    %c0_i32 = arith.constant 0 : i32
    return %arg0 : i32
  }
  func.func @transform_9(%arg0: i32) -> i32 {
    %c0_i32 = arith.constant 0 : i32
    %c0_i32_0 = arith.constant 0 : i32
    return %c0_i32 : i32
  }
}

</mosaic_0001>

<sc_bundles>
// kernel: kernel.4.cloned.1.call-start
scs
__scs_entry_jumppad:
0x0: {  	(pc) =	sbr.rel $0x88, $3  }
0x1: {  	(tag) =	ssettag $0x0;
	lr =	simm.s32 $0x1  }
0x2: {  	[smem:$0x3F9D] =	sst lr;
	_ =	strace $0xD0000000  }
0x3: {  	_ = 	snop  }
0x4: {  	_ = 	snop  }
0x5: {  	_ = 	snop  }
0x6: {  	_ = 	snop  }
0x7: {  	_ = 	snop  }
__scs_overlays_trampoline_lowered:
0x8: {  	[smem:$0x3FAC] =	sst s0  }
0x9: {  	[smem:$0x3FAD] =	sst s1  }
0xa: {  	[smem:$0x3FAE] =	sst s2  }
0xb: {  	[smem:$0x3FAF] =	sst s3  }
0xc: {  	[smem:$0x3FB0] =	sst s4  }
0xd: {  	[smem:$0x3FB1] =	sst s5  }
0xe: {  	[smem:$0x3FB2] =	sst s6  }
0xf: {  	[smem:$0x3FB3] =	sst s7  }
0x10: {  	[smem:$0x3FB4] =	sst s8  }
0x11: {  	[smem:$0x3FB5] =	sst s9;
	s0 =	simm.s32 @!p0 $0x0  }
0x12: {  	s1 =	sld [smem:$0x3F9B];
	s0 =	simm.s32 @p0 $0x1  }
0x13: {  	[smem:$0x3FB6] =	sst s0;
	s0 =	simm.s32 @!p1 $0x0  }
0x14: {  	s2 =	sld [smem:$0x3F9A];
	s0 =	simm.s32 @p1 $0x1  }
0x15: {  	[smem:$0x3FB7] =	sst s0;
	s0 =	simm.s32 @!p2 $0x0  }
0x16: {  	s3 =	sld [smem:$0x3FDB];
	s0 =	simm.s32 @p2 $0x1  }
0x17: {  	s4 =	simm.s32 $0x1BF5;
	[smem:$0x3FB9] =	sst s0  }
0x18: {  	s0 =	sld [smem:$0x3F9C];
	_ =	swait.ge [sflag:s4], $0x0  }
0x19: {  	s7 =	sld [smem:$0x3F9D]  }
0x1a: {  	s8 =	sadd.s32 $0xFFFFE003, lr  }
0x1b: {  	s9 =	sadd.s32 $0xFFFFFEF7, lr;
	s5 =	simm.s32 $0xFFFFFFFF;
	p2 =	slt.u32 s8, $0xFFFFF086  }
0x1c: {  	p1 =	slt.u32 s9, $0xF7A;
	s5 =	simm.s32 @!p2 $0x0  }
0x1d: {  	s5 =	simm.s32 @p1 $0x1;
	p0 =	seq.s32 s7, s2  }
0x1e: {  	s7 =	smul.u32 @!p0 $0xF7A, s2;
	p2 =	seq.s32 @!p0 s5, $0x0  }
0x1f: {  	s9 =	smul.u32 $0xF7A, s1;
	s8 =	simm.s32 @!p0 $0x1BF5;
	p2 =	por !p2, p0  }
0x20: {  	[sflag:s8] =	ssyncset.s32 @!p0 $0xFFFFF086;
	s6 =	sadd.s32 @!p0 s3, s7;
	s7 =	simm.s32 @!p0 $0x108  }
0x21: {  	s3 =	sadd.s32 s3, s9;
	s6 =	sadd.s32 @!p0 $0x88, s6;
	s7 =	simm.s32 @p2 $0x1082  }
0x22: {  	[simem:s7], [sflag:s8] =	dma.local @!p0 [hbm:s6], $0xF7A  }
0x23: {  	s9 =	sor.u32 $0xD0000000, s2;
	s6 =	simm.s32 $0x108;
	_ =	swait.ge @!p0 [sflag:s8], $0x0  }
0x24: {  	s3 =	sadd.s32 $0x88, s3;
	s6 =	simm.s32 @!p1 $0x1082;
	[sflag:s4] =	ssyncset.s32 $0xFFFFF086  }
0x25: {  	[simem:s6], [sflag:s4] =	dma.local [hbm:s3], $0xF7A  }
0x26: {  	[smem:$0x3F9D] =	sst s1;
	(tag) =	ssettag s2;
	_ =	strace s9  }
0x27: {  	s1 =	sld [smem:$0x3FAD]  }
0x28: {  	s2 =	sld [smem:$0x3FAE]  }
0x29: {  	s4 =	sld [smem:$0x3FB0]  }
0x2a: {  	p0 =	seq.s32 s5, $0x0;
	s5 =	sld [smem:$0x3FB1]  }
0x2b: {  	s6 =	sld [smem:$0x3FB2]  }
0x2c: {  	s7 =	sld [smem:$0x3FB3]  }
0x2d: {  	s3 =	simm.s32 $0x108;
	s8 =	sld [smem:$0x3FB4]  }
0x2e: {  	s3 =	simm.s32 @!p0 $0x1082;
	s9 =	sld [smem:$0x3FB5]  }
0x2f: {  	lr =	sadd.s32 s0, s3;
	s0 =	sld [smem:$0x3FAC]  }
0x30: {  	s3 =	sld [smem:$0x3FAF]  }
0x31: {  	[smem:$0x3FB8] =	sst s10  }
0x32: {  	s10 =	sld [smem:$0x3FB6];
	_ =	sdelay $0x3  }
0x33: {  	p0 =	seq.s32 s10, $0x1;
	s10 =	sld [smem:$0x3FB8];
	_ =	sdelay $0x3  }
0x34: {  	[smem:$0x3FB8] =	sst s10  }
0x35: {  	s10 =	sld [smem:$0x3FB7];
	_ =	sdelay $0x3  }
0x36: {  	p1 =	seq.s32 s10, $0x1;
	s10 =	sld [smem:$0x3FB8];
	_ =	sdelay $0x3  }
0x37: {  	[smem:$0x3FB8] =	sst s10  }
0x38: {  	s10 =	sld [smem:$0x3FB9]  }
0x39: {  	_ = 	snop;
	(pc) =	sbr.ind lr, $3  }
0x3a: {  	_ = 	snop  }
0x3b: {  	_ = 	snop  }
0x3c: {  	p2 =	seq.s32 s10, $0x1;
	s10 =	sld [smem:$0x3FB8]  }
0x3d: {  	_ =	shalt  }
0x3e: {  	_ =	shalt  }
0x3f: {  	_ =	shalt  }
0x40: {  	_ =	shalt  }
0x41: {  	_ =	shalt  }
0x42: {  	_ =	shalt  }
0x43: {  	_ =	shalt  }
0x44: {  	_ =	shalt  }
0x45: {  	_ =	shalt  }
0x46: {  	_ =	shalt  }
0x47: {  	_ =	shalt  }
0x48: {  	_ =	shalt  }
0x49: {  	_ =	shalt  }
0x4a: {  	_ =	shalt  }
0x4b: {  	_ =	shalt  }
0x4c: {  	_ =	shalt  }
0x4d: {  	_ =	shalt  }
0x4e: {  	_ =	shalt  }
0x4f: {  	_ =	shalt  }
0x50: {  	_ =	shalt  }
0x51: {  	_ =	shalt  }
0x52: {  	_ =	shalt  }
0x53: {  	_ =	shalt  }
0x54: {  	_ =	shalt  }
0x55: {  	_ =	shalt  }
0x56: {  	_ =	shalt  }
0x57: {  	_ =	shalt  }
0x58: {  	_ =	shalt  }
0x59: {  	_ =	shalt  }
0x5a: {  	_ =	shalt  }
0x5b: {  	_ =	shalt  }
0x5c: {  	_ =	shalt  }
0x5d: {  	_ =	shalt  }
0x5e: {  	_ =	shalt  }
0x5f: {  	_ =	shalt  }
0x60: {  	_ =	shalt  }
0x61: {  	_ =	shalt  }
0x62: {  	_ =	shalt  }
0x63: {  	_ =	shalt  }
0x64: {  	_ =	shalt  }
0x65: {  	_ =	shalt  }
0x66: {  	_ =	shalt  }
0x67: {  	_ =	shalt  }
0x68: {  	_ =	shalt  }
0x69: {  	_ =	shalt  }
0x6a: {  	_ =	shalt  }
0x6b: {  	_ =	shalt  }
0x6c: {  	_ =	shalt  }
0x6d: {  	_ =	shalt  }
0x6e: {  	_ =	shalt  }
0x6f: {  	_ =	shalt  }
0x70: {  	_ =	shalt  }
0x71: {  	_ =	shalt  }
0x72: {  	_ =	shalt  }
0x73: {  	_ =	shalt  }
0x74: {  	_ =	shalt  }
0x75: {  	_ =	shalt  }
0x76: {  	_ =	shalt  }
0x77: {  	_ =	shalt  }
0x78: {  	_ =	shalt  }
0x79: {  	_ =	shalt  }
0x7a: {  	_ =	shalt  }
0x7b: {  	_ =	shalt  }
0x7c: {  	_ =	shalt  }
0x7d: {  	_ =	shalt  }
0x7e: {  	_ =	shalt  }
0x7f: {  	_ =	shalt  }
0x80: {  	_ =	shalt  }
0x81: {  	_ =	shalt  }
0x82: {  	_ =	shalt  }
0x83: {  	_ =	shalt  }
0x84: {  	_ =	shalt  }
0x85: {  	_ =	shalt  }
0x86: {  	_ =	shalt  }
0x87: {  	_ =	shalt  }
.Lfunc_end0:
.L_simem_size_0:
called_computation_lowered:
.L_overlay_start_0:
0x88: {  	s0 =	sld [smem:$0x3FD9]  }
0x89: {  	s1 =	sld [smem:$0x3FFE];
	_ =	sdelay $0x3  }
0x8a: {  	s0 =	sadd.s32 s1, s0  }
0x8b: {  	[smem:$0x3FC4] =	sst s0  }
0x8c: {  	_ = 	snop  }
0x8d: {  	s0 =	sld [smem:$0x3FD0];
	_ =	sdelay $0x2  }
0x8e: {  	s13 =	simm.s32 $0xA;
	s2 =	simm.s32 $0x10  }
0x8f: {  	[smem:s2], [sflag:s13] =	dma.local [hbm:s0], $0x1  }
0x90: {  	_ =	swait.eq [sflag:s13], $0x1  }
0x91: {  	[sflag:s13] =	ssyncset.done $0x0  }
0x92: {  	[sflag:s13] =	ssyncadd.s32 $0xFFFFFFFF  }
0x93: {  	s14 =	sld [smem:$0x11];
	(tm) =	ssettm $0x1  }
0x94: {  	s15 =	sld [smem:$0x3FFB];
	_ =	sdelay $0x3  }
0x95: {  	_ =	strace s15  }
0x96: {  	s1 =	sld [smem:$0x3FFC];
	_ =	sdelay $0x3  }
0x97: {  	_ =	strace s1  }
0x98: {  	s1 =	sld [smem:$0x3FFD];
	_ =	sdelay $0x3  }
0x99: {  	_ =	strace s1  }
0x9a: {  	_ =	strace $0x8FFFFFFF  }
0x9b: {  	s16 =	sld [smem:$0x3FDB];
	_ =	sdelay $0x1  }
0x9c: {  	s17 =	simm.s32 $_scs_section_size  }
0x9d: {  	s3 =	simm.s32 $_size__tile_overlayer_lowered;
	s4 =	simm.s32 $_tile_overlayer_lowered  }
0x9e: {  	s20 =	simm.s32 $0x1BFF;
	s19 =	sshll.u32 s4, $0x1;
	s1 =	sadd.s32 s17, s16  }
0x9f: {  	s5 =	simm.s32 $0x0;
	s18 =	sshll.u32 s3, $0x1;
	s3 =	sadd.s32 s19, s1  }
0xa0: {  	[timem:s5], [sflag:s20] =	dma.local [hbm:s3], s18  }
0xa1: {  	_ =	swait.ge [sflag:s20], s18  }
0xa2: {  	s2 =	ssub.s32 $0x0, s18;
	[sflag:s20] =	ssyncset.done $0x0  }
0xa3: {  	[sflag:s20] =	ssyncadd.s32 s2;
	_ =	sdelay $0x1  }
0xa4: {  	s21 =	simm.s32 $0x1B8B  }
0xa5: {  	_ =	swait.ge [sflag:s21], $0x1  }
0xa6: {  	[sflag:s21] =	ssyncset.done $0x0  }
0xa7: {  	s23 =	simm.s32 $0x1B8E;
	s22 =	sld [smem:$0x3FFE];
	[sflag:s21] =	ssyncadd.s32 $0xFFFFFFFF  }
0xa8: {  	s24 =	simm.s32 $execute0_lowered;
	[smem:$0x3FD2] =	sst s23  }
0xa9: {  	s3 =	sshll.u32 s24, $0x1;
	_ =	strace $0x80000046;
	[dreg:$0x1] =	wrdreg $0xFFFFFFFF  }
0xaa: {  	s25 =	simm.s32 $_size_execute0_lowered;
	s1 =	sadd.s32 s1, s3;
	[dreg:$0x0] =	wrdreg $0x0  }
0xab: {  	s3 =	sshll.u32 s25, $0x1;
	[dreg:$0x2] =	wrdreg s1  }
0xac: {  	[dreg:$0x3] =	wrdreg s3  }
0xad: {  	[dreg:$0x4] =	wrdreg $0xC0  }
0xae: {  	_ =	task [dreg:s5], $0x5FFFF  }
0xaf: {  	[dreg:$0x1] =	wrdreg $0xFFFFFFFF  }
0xb0: {  	[dreg:$0x0] =	wrdreg $0x60  }
0xb1: {  	[dreg:$0x2] =	wrdreg s22  }
0xb2: {  	[dreg:$0x3] =	wrdreg s14  }
0xb3: {  	[dreg:$0x4] =	wrdreg $0x9  }
0xb4: {  	_ =	task.clear_ibuf [dreg:s5], $0x5FFFF;
	_ =	strace $0x90000046  }
0xb5: {  	s26 =	simm.s32 $0x9;
	_ =	strace $0x80000048  }
0xb6: {  	_ =	swait.ge [sflag:s26], $0x1  }
0xb7: {  	[sflag:s26] =	ssyncadd.s32 $0xFFFFFFFF  }
0xb8: {  	_ =	strace $0x90000048  }
0xb9: {  	_ =	sfence  }
0xba: {  	s28 =	sld [smem:$0x0];
	_ =	sdelay $0x1  }
0xbb: {  	s29 =	srdreg.scid  }
0xbc: {  	s30 =	sshll.u32 s29, $0xD;
	s31 =	sshrl.u32 s29, $0x2  }
0xbd: {  	s2 =	sand.u32 $0x4000, s30;
	s1 =	sand.u32 $0x1, s29;
	s0 =	sadd.s32 s31, s28  }
0xbe: {  	s1 =	sor.u32 s2, s1;
	s0 =	sshll.u32 s0, $0x11  }
0xbf: {  	s0 =	sor.u32 s0, s1  }
0xc0: {  	s0 =	sadd.s32 $0x8F2B, s0  }
0xc1: {  	[sflag:s0] =	ssyncadd.remote.s32 $0x1  }
0xc2: {  	_ =	sfence.sel $0xFFFF  }
0xc3: {  	[dreg:$0x0] =	wrdreg $0xFFFFFFFF;
	(pc) =	sbr.abs _section_cstart, $3  }
0xc4: {  	[dreg:$0x1] =	wrdreg $0xFFFFFFFF  }
0xc5: {  	_ =	task.clear_ibuf [dreg:s5], $0x2FFFF;
	_ =	strace $0x9FFFFFFF  }
0xc6: {  	(tm) =	ssettm $0x7FFFFFFF  }
0xc7: {  	_ =	shalt  }
tec
execute0_lowered:
.L_overlay_start_1:
0x0: {  	(tag) =	ssettag $0x1  }
0x1: {  	s5 =	rddreg [dreg:$0x0];
	s1 =	stileid.u32  }
0x2: {  	s2 =	rddreg [dreg:$0x1];
	s6 =	simm.s32 $0x0;
	s3 =	sshll.u32 s1, $0x7  }
0x3: {  	[smem:$0x7FF] =	sst s6;
	s4 =	sadd.s32 s3, s5  }
0x4: {  	s0 =	rddreg [dreg:$0x2];
	_ =	strace $0x80000047;
	s7 =	sadd.s32 $0x1000, s4  }
0x5: {  	[tilespmem:s6], [sflag:$0x1] =	stream.linear.gather [hbm4b:s7+s6], $0x400, $0x38;
	[tilespmem:$0x1480] =	vst v63  }
0x6: {  	s8 =	simm.s32 $0x400;
	s28 =	sadd.s32 $0x1800, s4  }
0x7: {  	[tilespmem:s8], [sflag:$0x1] =	stream.linear.gather [hbm4b:s28+s6], $0x400, $0x38;
	[tilespmem:$0x1480] =	vst v63  }
0x8: {  	s29 =	simm.s32 $0x800;
	s4 =	sadd.s32 $0x2000, s4  }
0x9: {  	[tilespmem:s29], [sflag:$0x1] =	stream.linear.gather [hbm4b:s4+s6], $0x400, $0x38;
	[tilespmem:$0x1480] =	vst v63  }
0xa: {  	s31 =	simm.s32 $0x1;
	s30 =	sadd.s32 $0x2800, s5;
	s4 =	simm.s32 $0xC00  }
0xb: {  	[tilespmem:s4], [sflag:$0x1] =	stream.linear.gather [hbm4b:s30+s6], $0x400, $0x38;
	[tilespmem:$0x1480] =	vst v63  }
0xc: {  	_ =	swait.ge [sflag:s31], $0x400  }
0xd: {  	[sflag:s31] =	ssyncset.done $0x0  }
0xe: {  	[sflag:s31] =	ssyncadd.s32 $0xFFFFFC00  }
0xf: {  	_ =	swait.ge [sflag:s31], $0x400  }
0x10: {  	[sflag:s31] =	ssyncset.done $0x0  }
0x11: {  	[sflag:s31] =	ssyncadd.s32 $0xFFFFFC00  }
0x12: {  	_ =	swait.ge [sflag:s31], $0x400  }
0x13: {  	[sflag:s31] =	ssyncset.done $0x0  }
0x14: {  	[sflag:s31] =	ssyncadd.s32 $0xFFFFFC00  }
0x15: {  	_ =	swait.ge [sflag:s31], $0x400  }
0x16: {  	[sflag:s31] =	ssyncset.done $0x0  }
0x17: {  	s6 =	simm.s32 $0x0;
	[sflag:s31] =	ssyncadd.s32 $0xFFFFFC00  }
0x18: {  	v0 =	vld [tilespmem:s6+$0x0];
	_ =	sdelay $0x5  }
0x19: {  	v1 =	vld [tilespmem:s6+$0x400]  }
0x1a: {  	v3 =	vld [tilespmem:s6+$0x10]  }
0x1b: {  	v2 =	vld.idx.msk [tilespmem:v0+s4+$0x0], $0xffff;
	_ =	sdelay $0x4  }
0x1c: {  	v0 =	vimm.f32 $0.0e+00;
	vm0 =	vge.f32 v1, v2  }
0x1d: {  	v2 =	vsel vm0, $0x3F800000, v0  }
0x1e: {  	v4 =	vld [tilespmem:s6+$0x410];
	[tilespmem:s6+$0x1000] =	vst v2  }
0x1f: {  	v3 =	vld.idx.msk [tilespmem:v3+s4+$0x0], $0xffff  }
0x20: {  	v5 =	vld [tilespmem:s6+$0x20];
	_ =	sdelay $0x1  }
0x21: {  	v1 =	vld [tilespmem:s6+$0x800];
	_ =	sdelay $0x1  }
0x22: {  	vm14 =	vge.f32 v4, v3;
	v3 =	vld [tilespmem:s6+$0x810];
	_ =	sdelay $0x1  }
0x23: {  	v4 =	vsel vm14, $0x3F800000, v0  }
0x24: {  	v6 =	vld [tilespmem:s6+$0x420];
	v1 =	vmul.f32 v2, v1;
	[tilespmem:s6+$0x1010] =	vst v4  }
0x25: {  	v5 =	vld.idx.msk [tilespmem:v5+s4+$0x0], $0xffff  }
0x26: {  	v1 =	vadd.f32 v1, v0;
	v2 =	vmul.f32 v4, v3;
	v4 =	vld [tilespmem:s6+$0x30];
	_ =	sdelay $0x1  }
0x27: {  	v1 =	vadd.f32 v2, v1;
	v2 =	vld [tilespmem:s6+$0x820];
	_ =	sdelay $0x2  }
0x28: {  	vm15 =	vge.f32 v6, v5  }
0x29: {  	s5 =	sadd.s32 $0x2A00, s5;
	s7 =	simm.s32 $0x100;
	s8 =	simm.s32 $0x200;
	v3 =	vsel vm15, $0x3F800000, v0  }
.LBB2_1:
0x2a: {  	p0 =	sne.s32 s8, $0xF00;
	[tilespmem:s6+$0x1020] =	vst v3;
	v2 =	vmul.f32 v3, v2;
	v3 =	vld [tilespmem:s6+$0x430]  }
0x2b: {  	s9 =	sshra.s32 s7, $0x2;
	s7 =	smov.u32 s8;
	v4 =	vld.idx.msk [tilespmem:v4+s4+$0x0], $0xffff  }
0x2c: {  	v5 =	vld [tilespmem:s9+$0x0];
	v1 =	vadd.f32 v2, v1;
	_ =	sdelay $0x1  }
0x2d: {  	v2 =	vld [tilespmem:s6+$0x830];
	_ =	sdelay $0x2  }
0x2e: {  	vm0 =	vge.f32 v3, v4  }
0x2f: {  	v3 =	vsel vm0, $0x3F800000, v0  }
0x30: {  	v4 =	vld [tilespmem:s9+$0x400];
	[tilespmem:s6+$0x1030] =	vst v3;
	v2 =	vmul.f32 v3, v2;
	s6 =	smov.u32 s9  }
0x31: {  	v3 =	vld.idx.msk [tilespmem:v5+s4+$0x0], $0xffff  }
0x32: {  	v5 =	vld [tilespmem:s6+$0x10];
	v1 =	vadd.f32 v2, v1;
	_ =	sdelay $0x1  }
0x33: {  	v2 =	vld [tilespmem:s6+$0x800];
	_ =	sdelay $0x2  }
0x34: {  	vm0 =	vge.f32 v4, v3  }
0x35: {  	v3 =	vsel vm0, $0x3F800000, v0  }
0x36: {  	[tilespmem:s6+$0x1000] =	vst v3;
	v2 =	vmul.f32 v3, v2;
	v3 =	vld [tilespmem:s6+$0x410]  }
0x37: {  	v4 =	vld.idx.msk [tilespmem:v5+s4+$0x0], $0xffff  }
0x38: {  	v1 =	vadd.f32 v2, v1;
	v2 =	vld [tilespmem:s6+$0x20];
	_ =	sdelay $0x1  }
0x39: {  	v5 =	vld [tilespmem:s6+$0x810];
	_ =	sdelay $0x2  }
0x3a: {  	vm0 =	vge.f32 v3, v4  }
0x3b: {  	v3 =	vsel vm0, $0x3F800000, v0  }
0x3c: {  	[tilespmem:s6+$0x1010] =	vst v3;
	v3 =	vmul.f32 v3, v5;
	v5 =	vld [tilespmem:s6+$0x420]  }
0x3d: {  	v6 =	vld.idx.msk [tilespmem:v2+s4+$0x0], $0xffff  }
0x3e: {  	v1 =	vadd.f32 v3, v1;
	v4 =	vld [tilespmem:s6+$0x30];
	_ =	sdelay $0x1  }
.Ltmp0:
0x3f: {  	v2 =	vld [tilespmem:s6+$0x820];
	(pc) =	sbr.rel @p0 .LBB2_1-.Ltmp0, $3  }
0x40: {  	_ =	sdelay $0x1  }
0x41: {  	vm0 =	vge.f32 v5, v6  }
0x42: {  	s8 =	sadd.s32 $0x100, s8;
	v3 =	vsel vm0, $0x3F800000, v0  }
0x43: {  	_ =	sdelay $0x2  }
0x44: {  	[tilespmem:s6+$0x1020] =	vst v3;
	v5 =	vld [tilespmem:s6+$0x430]  }
0x45: {  	s7 =	sshra.s32 s7, $0x2;
	v4 =	vld.idx.msk [tilespmem:v4+s4+$0x0], $0xffff  }
0x46: {  	v6 =	vld [tilespmem:s7+$0x0];
	_ =	sdelay $0x4  }
0x47: {  	vm0 =	vge.f32 v5, v4  }
0x48: {  	v4 =	vsel vm0, $0x3F800000, v0  }
0x49: {  	v50 =	vld [tilespmem:s7+$0x400];
	[tilespmem:s6+$0x1030] =	vst v4  }
0x4a: {  	v6 =	vld.idx.msk [tilespmem:v6+s4+$0x0], $0xffff  }
0x4b: {  	v8 =	vld [tilespmem:s7+$0x10];
	_ =	sdelay $0x4  }
0x4c: {  	v7 =	vld [tilespmem:s6+$0x830];
	vm12 =	vge.f32 v50, v6  }
0x4d: {  	v51 =	vld [tilespmem:s7+$0x410];
	v5 =	vsel vm12, $0x3F800000, v0  }
0x4e: {  	v9 =	vld [tilespmem:s7+$0x20];
	[tilespmem:s7+$0x1000] =	vst v5  }
0x4f: {  	v8 =	vld.idx.msk [tilespmem:v8+s4+$0x0], $0xffff;
	_ =	sdelay $0x4  }
0x50: {  	vm13 =	vge.f32 v51, v8  }
0x51: {  	v52 =	vld [tilespmem:s7+$0x420];
	v6 =	vsel vm13, $0x3F800000, v0  }
0x52: {  	v10 =	vld [tilespmem:s7+$0x30];
	[tilespmem:s7+$0x1010] =	vst v6  }
0x53: {  	v9 =	vld.idx.msk [tilespmem:v9+s4+$0x0], $0xffff;
	_ =	sdelay $0x3  }
0x54: {  	v11 =	vld [tilespmem:s7+$0x800]  }
0x55: {  	v2 =	vmul.f32 v3, v2;
	v53 =	vld [tilespmem:s7+$0x810];
	vm14 =	vge.f32 v52, v9  }
0x56: {  	v54 =	vld [tilespmem:s7+$0x820];
	v9 =	vsel vm14, $0x3F800000, v0  }
0x57: {  	v1 =	vadd.f32 v2, v1;
	v55 =	vmul.f32 v4, v7;
	v56 =	vld [tilespmem:s7+$0x430];
	[tilespmem:s7+$0x1020] =	vst v9  }
0x58: {  	v57 =	vld.idx.msk [tilespmem:v10+s4+$0x0], $0xffff  }
0x59: {  	v1 =	vadd.f32 v55, v1;
	v58 =	vmul.f32 v5, v11  }
0x5a: {  	v59 =	vld [tilespmem:s7+$0x830]  }
0x5b: {  	v1 =	vadd.f32 v58, v1;
	v60 =	vmul.f32 v6, v53;
	_ =	sdelay $0x1  }
0x5c: {  	v1 =	vadd.f32 v60, v1;
	v61 =	vmul.f32 v9, v54;
	vm15 =	vge.f32 v56, v57  }
0x5d: {  	v62 =	vsel vm15, $0x3F800000, v0  }
0x5e: {  	v1 =	vadd.f32 v61, v1;
	v63 =	vmul.f32 v62, v59;
	_ =	sdelay $0x1  }
0x5f: {  	v1 =	vadd.f32 v63, v1;
	_ =	sdelay $0x1  }
0x60: {  	v1 =	vmul.f32 $6.103515630e-05, v1  }
0x61: {  	s2 =	sadd.s32 s2, s3;
	[tilespmem:s7+$0x1030] =	vst v62  }
0x62: {  	s26 =	simm.s32 $0x0;
	s28 =	simm.s32 $0x1000;
	s29 =	simm.s32 $0x2;
	[tilespmem:$0x1400] =	vst v1  }
0x63: {  	[hbm4b:s2+s26] =	stream.linear.scatter [tilespmem:s28], [sflag:$0x2], $0x400, $0x38;
	[tilespmem:$0x1480] =	vst v63  }
0x64: {  	_ =	swait.ge [sflag:s29], $0x400  }
0x65: {  	s30 =	sshll.u32 s1, $0x4;
	[sflag:s29] =	ssyncset.done $0x0  }
0x66: {  	s31 =	simm.s32 $0x1400;
	s4 =	sadd.s32 s5, s30;
	[sflag:s29] =	ssyncadd.s32 $0xFFFFFC00  }
0x67: {  	[hbm4b:s4+s26] =	stream.linear.scatter [tilespmem:s31], [sflag:$0x2], $0x80, $0x38;
	[tilespmem:$0x1480] =	vst v63  }
0x68: {  	_ =	swait.ge [sflag:s29], $0x80  }
0x69: {  	[sflag:s29] =	ssyncset.done $0x0  }
0x6a: {  	[sflag:s29] =	ssyncadd.s32 $0xFFFFFF80  }
0x6b: {  	_ =	sfence.sel $0x180000  }
0x6c: {  	[bflag:$0x0] =	sbarrier.arrive $0xFFFF  }
0x6d: {  	p0 =	sne.s32 s1, $0x0;
	_ =	strace $0x90000047  }
0x6e: {  	s0 =	sadd.s32 @!p0 $0x100000, s0;
	[bflag:$0x2] =	sbarrier.arrive $0xFFFF  }
0x6f: {  	[sflag:s0] =	ssyncadd.tile.s32 @!p0 $0x1;
	_ =	shalt  }
.Lfunc_end2:
_tile_overlayer_lowered:
.L_overlay_start_2:
0x70: {  	(tag) =	ssettag $0x2  }
0x71: {  	s0 =	rddreg [dreg:$0x0];
	s2 =	stileid.u32  }
0x72: {  	s1 =	rddreg [dreg:$0x1];
	p0 =	sne.s32 s2, $0x0  }
0x73: {  	s3 =	rddreg [dreg:$0x2];
	[bflag:$0x3] =	sbarrier.arrive $0xFFFF;
	s2 =	simm.s32 @!p0 $0x1C02  }
0x74: {  	[timem:s3], [sflag:s2] =	dma.local @!p0 [hbm:s0], s1  }
0x75: {  	s0 =	simm.s32 @!p0 $0x2  }
0x76: {  	_ =	swait.ge @!p0 [sflag:s0], s1  }
0x77: {  	s1 =	ssub.s32 @!p0 $0x0, s1;
	[sflag:s0] =	ssyncset.done @!p0 $0x0  }
0x78: {  	[sflag:s0] =	ssyncadd.s32 @!p0 s1  }
0x79: {  	[bflag:$0x3] =	sbarrier.arrive $0xFFFF  }
0x7a: {  	_ =	shalt  }

</sc_bundles>
